<compile_context>
chip_gen: v7x
topology: tpu7x:2x2x1
jax: 0.10.2.dev20260603
libtpu: 0.0.44.dev20260713+nightly
codegen_flags: <defaults>
</compile_context>

<pallas_src>
import jax
import jax.numpy as jnp
from jax.experimental import pallas as pl

B = 16
H = 16
N = 512
D = 64
HIDDEN = 256
D_MODEL = H * D
M = N // 2
L = 2 * D


def _body(k_ref, v_ref, h_ref, wkv_ref, wh_ref, b1_ref, wf_ref, b2_ref,
          outk_ref, outv_ref, outs_ref):
    outk_ref[...] = k_ref[...]
    outv_ref[...] = v_ref[...]

    acc = (jnp.dot(h_ref[0], wh_ref[...], preferred_element_type=jnp.float32)
           + b1_ref[...])
    for hd in range(H):
        kv = jnp.concatenate([k_ref[0, hd], v_ref[0, hd]], axis=-1)
        acc += jnp.dot(kv, wkv_ref[hd], preferred_element_type=jnp.float32)
    a = jnp.maximum(acc, 0.0)
    outs_ref[0] = (jnp.dot(a, wf_ref[...], preferred_element_type=jnp.float32)
                   + b2_ref[0, 0])


def kernel(key_t, value_t, hidden_state, w1, b1, w2, b2, t1_k, t1_v, t1_scores):
    k2 = key_t.reshape(B, H, M, L)
    v2 = value_t.reshape(B, H, M, L)
    h2 = hidden_state.reshape(B, M, 2 * D_MODEL)

    eye2 = jnp.eye(2, dtype=jnp.float32)
    wk = w1[:D_MODEL].reshape(H, D, HIDDEN)
    wv = w1[D_MODEL:2 * D_MODEL].reshape(H, D, HIDDEN)
    wh = w1[2 * D_MODEL:]
    wk2 = (eye2[None, :, None, :, None]
           * wk[:, None, :, None, :]).reshape(H, L, 2 * HIDDEN)
    wv2 = (eye2[None, :, None, :, None]
           * wv[:, None, :, None, :]).reshape(H, L, 2 * HIDDEN)
    wkv2 = jnp.concatenate([wk2, wv2], axis=1)
    wh2 = (eye2[:, None, :, None]
           * wh[None, :, None, :]).reshape(2 * D_MODEL, 2 * HIDDEN)
    b1_2 = jnp.tile(b1, 2).reshape(1, 2 * HIDDEN)
    wf = (eye2[:, None, :] * w2[:, 0][None, :, None]).reshape(2 * HIDDEN, 2)
    b2r = b2.reshape(1, 1)

    grid = (B,)
    out_shape = (
        jax.ShapeDtypeStruct((B, H, M, L), jnp.float32),
        jax.ShapeDtypeStruct((B, H, M, L), jnp.float32),
        jax.ShapeDtypeStruct((B, M, 2), jnp.float32),
    )
    outk, outv, outs = pl.pallas_call(
        _body,
        grid=grid,
        in_specs=[
            pl.BlockSpec((1, H, M, L), lambda b: (b, 0, 0, 0)),
            pl.BlockSpec((1, H, M, L), lambda b: (b, 0, 0, 0)),
            pl.BlockSpec((1, M, 2 * D_MODEL), lambda b: (b, 0, 0)),
            pl.BlockSpec((H, 2 * L, 2 * HIDDEN), lambda b: (0, 0, 0)),
            pl.BlockSpec((2 * D_MODEL, 2 * HIDDEN), lambda b: (0, 0)),
            pl.BlockSpec((1, 2 * HIDDEN), lambda b: (0, 0)),
            pl.BlockSpec((2 * HIDDEN, 2), lambda b: (0, 0)),
            pl.BlockSpec((1, 1), lambda b: (0, 0)),
        ],
        out_specs=[
            pl.BlockSpec((1, H, M, L), lambda b: (b, 0, 0, 0)),
            pl.BlockSpec((1, H, M, L), lambda b: (b, 0, 0, 0)),
            pl.BlockSpec((1, M, 2), lambda b: (b, 0, 0)),
        ],
        out_shape=out_shape,
    )(k2, v2, h2, wkv2, wh2, b1_2, wf, b2r)
    return (outk.reshape(B, H, N, D), outv.reshape(B, H, N, D),
            outs.reshape(B, N))

# --- scband reference (transcript-rebuilt; emitter-appended) ---
"""Pipeline reference for scband-hierarchical-kvcache-34677565948799 (READ-ONLY COPY).

The authoritative reference and input builder live on the scoring server;
editing this copy changes nothing except your own understanding.
"""

import jax, jax.numpy as jnp
import numpy as np

B = 16
H = 16
D_HEAD = 64
D_MODEL = H * D_HEAD  # 1024
N_NEW = 512
CAP1 = 512
HIDDEN = 256


def setup_inputs(seed: int = 0) -> dict:
    key = jax.random.key(seed)
    ks = jax.random.split(key, 6)
    k = jax.random.normal(ks[0], (B, H, N_NEW, D_HEAD), dtype=jnp.float32)
    v = jax.random.normal(ks[1], (B, H, N_NEW, D_HEAD), dtype=jnp.float32)
    hidden_state = jax.random.normal(ks[2], (B, N_NEW, D_MODEL), dtype=jnp.float32)
    # ImportanceScorer params (fc1: d_model*3 -> 256, fc2: 256 -> 1)
    w1 = jax.random.normal(ks[3], (D_MODEL * 3, HIDDEN), dtype=jnp.float32) / np.sqrt(D_MODEL * 3)
    b1 = jnp.zeros((HIDDEN,), dtype=jnp.float32)
    w2 = jax.random.normal(ks[4], (HIDDEN, 1), dtype=jnp.float32) / np.sqrt(HIDDEN)
    b2 = jnp.zeros((1,), dtype=jnp.float32)
    # tier-1 cache buffers (fresh cache: t1_n == 0)
    t1_k = jnp.zeros((B, H, CAP1, D_HEAD), dtype=jnp.float32)
    t1_v = jnp.zeros((B, H, CAP1, D_HEAD), dtype=jnp.float32)
    t1_scores = jnp.zeros((B, CAP1), dtype=jnp.float32)
    return {"key_t": k, "value_t": v, "hidden_state": hidden_state,
            "w1": w1, "b1": b1, "w2": w2, "b2": b2,
            "t1_k": t1_k, "t1_v": t1_v, "t1_scores": t1_scores}


def _scorer(k, v, h, w1, b1, w2, b2):
    b, nh, n, dh = k.shape
    d_model = nh * dh
    k_flat = jnp.transpose(k, (0, 2, 1, 3)).reshape(b, n, d_model)
    v_flat = jnp.transpose(v, (0, 2, 1, 3)).reshape(b, n, d_model)
    if h.ndim == 2:
        h = h[:, None, :]
    if h.shape[1] == 1:
        h = jnp.broadcast_to(h, (b, n, h.shape[-1]))
    x = jnp.concatenate([k_flat, v_flat, h], axis=-1)
    x = jax.nn.relu(x @ w1 + b1)
    return (x @ w2 + b2).squeeze(-1)


def reference(key_t, value_t, hidden_state, w1, b1, w2, b2, t1_k, t1_v, t1_scores):
    # HierarchicalKVCache.write with a fresh cache (t1_n = 0).
    b, h, n_new, d = key_t.shape
    new_scores = _scorer(key_t, value_t, hidden_state, w1, b1, w2, b2)
    t1_n = 0
    # need_evict = max(0, t1_n + n_new - cap1) == 0 since n_new == cap1 and t1_n == 0
    t1_k_new = t1_k.at[:, :, t1_n:t1_n + n_new].set(key_t)
    t1_v_new = t1_v.at[:, :, t1_n:t1_n + n_new].set(value_t)
    t1_scores_new = t1_scores.at[:, t1_n:t1_n + n_new].set(new_scores)
    return (t1_k_new, t1_v_new, t1_scores_new)

if __name__ == "__main__":
    import jax
    _d = setup_inputs()
    print(jax.jit(kernel)(*tuple(_d.values())))

</pallas_src>

<mosaic_0001>
module attributes {stable_mosaic.version = 14 : i64} {
  func.func @_body(%arg0: i32, %arg1: memref<1x16x256x128xf32, #tpu.memory_space<vmem>>, %arg2: memref<1x16x256x128xf32, #tpu.memory_space<vmem>>, %arg3: memref<1x256x2048xf32, #tpu.memory_space<vmem>>, %arg4: memref<16x256x512xf32, #tpu.memory_space<vmem>>, %arg5: memref<2048x512xf32, #tpu.memory_space<vmem>>, %arg6: memref<1x512xf32, #tpu.memory_space<vmem>>, %arg7: memref<512x2xf32, #tpu.memory_space<vmem>>, %arg8: memref<1x1xf32, #tpu.memory_space<vmem>>, %arg9: memref<1x16x256x128xf32, #tpu.memory_space<vmem>>, %arg10: memref<1x16x256x128xf32, #tpu.memory_space<vmem>>, %arg11: memref<1x256x2xf32, #tpu.memory_space<vmem>>) attributes {dimension_semantics = [#tpu.dimension_semantics<arbitrary>], iteration_bounds = array<i64: 16>, scalar_prefetch = 0 : i64, scratch_operands = 0 : i64, tpu.core_type = #tpu.core_type<tc>, window_params = [{transform_indices = @transform_0, window_bounds = array<i64: 1, 16, 256, 128>}, {transform_indices = @transform_1, window_bounds = array<i64: 1, 16, 256, 128>}, {transform_indices = @transform_2, window_bounds = array<i64: 1, 256, 2048>}, {pipeline_mode = #tpu.pipeline_mode<synchronous>, transform_indices = @transform_3, window_bounds = array<i64: 16, 256, 512>}, {pipeline_mode = #tpu.pipeline_mode<synchronous>, transform_indices = @transform_4, window_bounds = array<i64: 2048, 512>}, {pipeline_mode = #tpu.pipeline_mode<synchronous>, transform_indices = @transform_5, window_bounds = array<i64: 1, 512>}, {pipeline_mode = #tpu.pipeline_mode<synchronous>, transform_indices = @transform_6, window_bounds = array<i64: 512, 2>}, {pipeline_mode = #tpu.pipeline_mode<synchronous>, transform_indices = @transform_7, window_bounds = array<i64: 1, 1>}, {transform_indices = @transform_8, window_bounds = array<i64: 1, 16, 256, 128>}, {transform_indices = @transform_9, window_bounds = array<i64: 1, 16, 256, 128>}, {transform_indices = @transform_10, window_bounds = array<i64: 1, 256, 2>}]} {
    %get3A = arith.constant 0 : index
    %get3A_0 = arith.constant 0 : index
    %get3A_1 = arith.constant 0 : index
    %get3A_2 = arith.constant 0 : index
    %get3A_3 = vector.load %arg1[%get3A, %get3A_0, %get3A_1, %get3A_2] : memref<1x16x256x128xf32, #tpu.memory_space<vmem>>, vector<1x16x256x128xf32>
    %swap3A = arith.constant 0 : index
    %swap3A_4 = arith.constant 0 : index
    %swap3A_5 = arith.constant 0 : index
    %swap3A_6 = arith.constant 0 : index
    %swap3A_7 = vector.load %arg9[%swap3A, %swap3A_4, %swap3A_5, %swap3A_6] : memref<1x16x256x128xf32, #tpu.memory_space<vmem>>, vector<1x16x256x128xf32>
    tpu.vector_store %arg9[%swap3A, %swap3A_4, %swap3A_5, %swap3A_6], %get3A_3 {strides = array<i32>} : memref<1x16x256x128xf32, #tpu.memory_space<vmem>>, vector<1x16x256x128xf32>,
    %get3A_8 = arith.constant 0 : index
    %get3A_9 = arith.constant 0 : index
    %get3A_10 = arith.constant 0 : index
    %get3A_11 = arith.constant 0 : index
    %get3A_12 = vector.load %arg2[%get3A_8, %get3A_9, %get3A_10, %get3A_11] : memref<1x16x256x128xf32, #tpu.memory_space<vmem>>, vector<1x16x256x128xf32>
    %swap3A_13 = arith.constant 0 : index
    %swap3A_14 = arith.constant 0 : index
    %swap3A_15 = arith.constant 0 : index
    %swap3A_16 = arith.constant 0 : index
    %swap3A_17 = vector.load %arg10[%swap3A_13, %swap3A_14, %swap3A_15, %swap3A_16] : memref<1x16x256x128xf32, #tpu.memory_space<vmem>>, vector<1x16x256x128xf32>
    tpu.vector_store %arg10[%swap3A_13, %swap3A_14, %swap3A_15, %swap3A_16], %get3A_12 {strides = array<i32>} : memref<1x16x256x128xf32, #tpu.memory_space<vmem>>, vector<1x16x256x128xf32>,
    %get3A_18 = arith.constant 0 : index
    %get3A_19 = arith.constant 0 : index
    %get3A_20 = arith.constant 0 : index
    %get3A_21 = vector.load %arg3[%get3A_18, %get3A_19, %get3A_20] : memref<1x256x2048xf32, #tpu.memory_space<vmem>>, vector<1x256x2048xf32>
    %get3A_22 = vector.shape_cast %get3A_21 : vector<1x256x2048xf32> to vector<256x2048xf32>
    %get3A_23 = arith.constant 0 : index
    %get3A_24 = arith.constant 0 : index
    %get3A_25 = vector.load %arg5[%get3A_23, %get3A_24] : memref<2048x512xf32, #tpu.memory_space<vmem>>, vector<2048x512xf32>
    %dot_general3A = arith.constant dense<0.000000e+00> : vector<256x512xf32>
    %dot_general3A_26 = tpu.matmul %get3A_22, %get3A_25, %dot_general3A {dimension_numbers = #tpu.dot_dimension_numbers<[1], [0], [0], [1], [0, 0, 1, 1], [], []>, transpose_lhs_hint = false} : vector<256x2048xf32>, vector<2048x512xf32>, vector<256x512xf32> -> vector<256x512xf32>
    %get3A_27 = arith.constant 0 : index
    %get3A_28 = arith.constant 0 : index
    %get3A_29 = vector.load %arg6[%get3A_27, %get3A_28] : memref<1x512xf32, #tpu.memory_space<vmem>>, vector<1x512xf32>
    %add3A = vector.broadcast %get3A_29 : vector<1x512xf32> to vector<256x512xf32>
    %add3A_30 = arith.addf %dot_general3A_26, %add3A : vector<256x512xf32>
    %get3A_31 = arith.constant 0 : index
    %get3A_32 = arith.constant 0 : index
    %get3A_33 = arith.constant 0 : index
    %get3A_34 = arith.constant 0 : index
    %get3A_35 = vector.load %arg1[%get3A_31, %get3A_32, %get3A_33, %get3A_34] : memref<1x16x256x128xf32, #tpu.memory_space<vmem>>, vector<1x1x256x128xf32>
    %get3A_36 = vector.shape_cast %get3A_35 : vector<1x1x256x128xf32> to vector<256x128xf32>
    %get3A_37 = arith.constant 0 : index
    %get3A_38 = arith.constant 0 : index
    %get3A_39 = arith.constant 0 : index
    %get3A_40 = arith.constant 0 : index
    %get3A_41 = vector.load %arg2[%get3A_37, %get3A_38, %get3A_39, %get3A_40] : memref<1x16x256x128xf32, #tpu.memory_space<vmem>>, vector<1x1x256x128xf32>
    %get3A_42 = vector.shape_cast %get3A_41 : vector<1x1x256x128xf32> to vector<256x128xf32>
    %concatenate3A = tpu.concatenate %get3A_36, %get3A_42 in 1 : vector<256x128xf32>, vector<256x128xf32> -> vector<256x256xf32>
    %get3A_43 = arith.constant 0 : index
    %get3A_44 = arith.constant 0 : index
    %get3A_45 = arith.constant 0 : index
    %get3A_46 = vector.load %arg4[%get3A_43, %get3A_44, %get3A_45] : memref<16x256x512xf32, #tpu.memory_space<vmem>>, vector<1x256x512xf32>
    %get3A_47 = vector.shape_cast %get3A_46 : vector<1x256x512xf32> to vector<256x512xf32>
    %dot_general3A_48 = arith.constant dense<0.000000e+00> : vector<256x512xf32>
    %dot_general3A_49 = tpu.matmul %concatenate3A, %get3A_47, %dot_general3A_48 {dimension_numbers = #tpu.dot_dimension_numbers<[1], [0], [0], [1], [0, 0, 1, 1], [], []>, transpose_lhs_hint = false} : vector<256x256xf32>, vector<256x512xf32>, vector<256x512xf32> -> vector<256x512xf32>
    %add3A_50 = arith.addf %add3A_30, %dot_general3A_49 : vector<256x512xf32>
    %get3A_51 = arith.constant 0 : index
    %get3A_52 = arith.constant 1 : index
    %get3A_53 = arith.constant 0 : index
    %get3A_54 = arith.constant 0 : index
    %get3A_55 = vector.load %arg1[%get3A_51, %get3A_52, %get3A_53, %get3A_54] : memref<1x16x256x128xf32, #tpu.memory_space<vmem>>, vector<1x1x256x128xf32>
    %get3A_56 = vector.shape_cast %get3A_55 : vector<1x1x256x128xf32> to vector<256x128xf32>
    %get3A_57 = arith.constant 0 : index
    %get3A_58 = arith.constant 1 : index
    %get3A_59 = arith.constant 0 : index
    %get3A_60 = arith.constant 0 : index
    %get3A_61 = vector.load %arg2[%get3A_57, %get3A_58, %get3A_59, %get3A_60] : memref<1x16x256x128xf32, #tpu.memory_space<vmem>>, vector<1x1x256x128xf32>
    %get3A_62 = vector.shape_cast %get3A_61 : vector<1x1x256x128xf32> to vector<256x128xf32>
    %concatenate3A_63 = tpu.concatenate %get3A_56, %get3A_62 in 1 : vector<256x128xf32>, vector<256x128xf32> -> vector<256x256xf32>
    %get3A_64 = arith.constant 1 : index
    %get3A_65 = arith.constant 0 : index
    %get3A_66 = arith.constant 0 : index
    %get3A_67 = vector.load %arg4[%get3A_64, %get3A_65, %get3A_66] : memref<16x256x512xf32, #tpu.memory_space<vmem>>, vector<1x256x512xf32>
    %get3A_68 = vector.shape_cast %get3A_67 : vector<1x256x512xf32> to vector<256x512xf32>
    %dot_general3A_69 = arith.constant dense<0.000000e+00> : vector<256x512xf32>
    %dot_general3A_70 = tpu.matmul %concatenate3A_63, %get3A_68, %dot_general3A_69 {dimension_numbers = #tpu.dot_dimension_numbers<[1], [0], [0], [1], [0, 0, 1, 1], [], []>, transpose_lhs_hint = false} : vector<256x256xf32>, vector<256x512xf32>, vector<256x512xf32> -> vector<256x512xf32>
    %add3A_71 = arith.addf %add3A_50, %dot_general3A_70 : vector<256x512xf32>
    %get3A_72 = arith.constant 0 : index
    %get3A_73 = arith.constant 2 : index
    %get3A_74 = arith.constant 0 : index
    %get3A_75 = arith.constant 0 : index
    %get3A_76 = vector.load %arg1[%get3A_72, %get3A_73, %get3A_74, %get3A_75] : memref<1x16x256x128xf32, #tpu.memory_space<vmem>>, vector<1x1x256x128xf32>
    %get3A_77 = vector.shape_cast %get3A_76 : vector<1x1x256x128xf32> to vector<256x128xf32>
    %get3A_78 = arith.constant 0 : index
    %get3A_79 = arith.constant 2 : index
    %get3A_80 = arith.constant 0 : index
    %get3A_81 = arith.constant 0 : index
    %get3A_82 = vector.load %arg2[%get3A_78, %get3A_79, %get3A_80, %get3A_81] : memref<1x16x256x128xf32, #tpu.memory_space<vmem>>, vector<1x1x256x128xf32>
    %get3A_83 = vector.shape_cast %get3A_82 : vector<1x1x256x128xf32> to vector<256x128xf32>
    %concatenate3A_84 = tpu.concatenate %get3A_77, %get3A_83 in 1 : vector<256x128xf32>, vector<256x128xf32> -> vector<256x256xf32>
    %get3A_85 = arith.constant 2 : index
    %get3A_86 = arith.constant 0 : index
    %get3A_87 = arith.constant 0 : index
    %get3A_88 = vector.load %arg4[%get3A_85, %get3A_86, %get3A_87] : memref<16x256x512xf32, #tpu.memory_space<vmem>>, vector<1x256x512xf32>
    %get3A_89 = vector.shape_cast %get3A_88 : vector<1x256x512xf32> to vector<256x512xf32>
    %dot_general3A_90 = arith.constant dense<0.000000e+00> : vector<256x512xf32>
    %dot_general3A_91 = tpu.matmul %concatenate3A_84, %get3A_89, %dot_general3A_90 {dimension_numbers = #tpu.dot_dimension_numbers<[1], [0], [0], [1], [0, 0, 1, 1], [], []>, transpose_lhs_hint = false} : vector<256x256xf32>, vector<256x512xf32>, vector<256x512xf32> -> vector<256x512xf32>
    %add3A_92 = arith.addf %add3A_71, %dot_general3A_91 : vector<256x512xf32>
    %get3A_93 = arith.constant 0 : index
    %get3A_94 = arith.constant 3 : index
    %get3A_95 = arith.constant 0 : index
    %get3A_96 = arith.constant 0 : index
    %get3A_97 = vector.load %arg1[%get3A_93, %get3A_94, %get3A_95, %get3A_96] : memref<1x16x256x128xf32, #tpu.memory_space<vmem>>, vector<1x1x256x128xf32>
    %get3A_98 = vector.shape_cast %get3A_97 : vector<1x1x256x128xf32> to vector<256x128xf32>
    %get3A_99 = arith.constant 0 : index
    %get3A_100 = arith.constant 3 : index
    %get3A_101 = arith.constant 0 : index
    %get3A_102 = arith.constant 0 : index
    %get3A_103 = vector.load %arg2[%get3A_99, %get3A_100, %get3A_101, %get3A_102] : memref<1x16x256x128xf32, #tpu.memory_space<vmem>>, vector<1x1x256x128xf32>
    %get3A_104 = vector.shape_cast %get3A_103 : vector<1x1x256x128xf32> to vector<256x128xf32>
    %concatenate3A_105 = tpu.concatenate %get3A_98, %get3A_104 in 1 : vector<256x128xf32>, vector<256x128xf32> -> vector<256x256xf32>
    %get3A_106 = arith.constant 3 : index
    %get3A_107 = arith.constant 0 : index
    %get3A_108 = arith.constant 0 : index
    %get3A_109 = vector.load %arg4[%get3A_106, %get3A_107, %get3A_108] : memref<16x256x512xf32, #tpu.memory_space<vmem>>, vector<1x256x512xf32>
    %get3A_110 = vector.shape_cast %get3A_109 : vector<1x256x512xf32> to vector<256x512xf32>
    %dot_general3A_111 = arith.constant dense<0.000000e+00> : vector<256x512xf32>
    %dot_general3A_112 = tpu.matmul %concatenate3A_105, %get3A_110, %dot_general3A_111 {dimension_numbers = #tpu.dot_dimension_numbers<[1], [0], [0], [1], [0, 0, 1, 1], [], []>, transpose_lhs_hint = false} : vector<256x256xf32>, vector<256x512xf32>, vector<256x512xf32> -> vector<256x512xf32>
    %add3A_113 = arith.addf %add3A_92, %dot_general3A_112 : vector<256x512xf32>
    %get3A_114 = arith.constant 0 : index
    %get3A_115 = arith.constant 4 : index
    %get3A_116 = arith.constant 0 : index
    %get3A_117 = arith.constant 0 : index
    %get3A_118 = vector.load %arg1[%get3A_114, %get3A_115, %get3A_116, %get3A_117] : memref<1x16x256x128xf32, #tpu.memory_space<vmem>>, vector<1x1x256x128xf32>
    %get3A_119 = vector.shape_cast %get3A_118 : vector<1x1x256x128xf32> to vector<256x128xf32>
    %get3A_120 = arith.constant 0 : index
    %get3A_121 = arith.constant 4 : index
    %get3A_122 = arith.constant 0 : index
    %get3A_123 = arith.constant 0 : index
    %get3A_124 = vector.load %arg2[%get3A_120, %get3A_121, %get3A_122, %get3A_123] : memref<1x16x256x128xf32, #tpu.memory_space<vmem>>, vector<1x1x256x128xf32>
    %get3A_125 = vector.shape_cast %get3A_124 : vector<1x1x256x128xf32> to vector<256x128xf32>
    %concatenate3A_126 = tpu.concatenate %get3A_119, %get3A_125 in 1 : vector<256x128xf32>, vector<256x128xf32> -> vector<256x256xf32>
    %get3A_127 = arith.constant 4 : index
    %get3A_128 = arith.constant 0 : index
    %get3A_129 = arith.constant 0 : index
    %get3A_130 = vector.load %arg4[%get3A_127, %get3A_128, %get3A_129] : memref<16x256x512xf32, #tpu.memory_space<vmem>>, vector<1x256x512xf32>
    %get3A_131 = vector.shape_cast %get3A_130 : vector<1x256x512xf32> to vector<256x512xf32>
    %dot_general3A_132 = arith.constant dense<0.000000e+00> : vector<256x512xf32>
    %dot_general3A_133 = tpu.matmul %concatenate3A_126, %get3A_131, %dot_general3A_132 {dimension_numbers = #tpu.dot_dimension_numbers<[1], [0], [0], [1], [0, 0, 1, 1], [], []>, transpose_lhs_hint = false} : vector<256x256xf32>, vector<256x512xf32>, vector<256x512xf32> -> vector<256x512xf32>
    %add3A_134 = arith.addf %add3A_113, %dot_general3A_133 : vector<256x512xf32>
    %get3A_135 = arith.constant 0 : index
    %get3A_136 = arith.constant 5 : index
    %get3A_137 = arith.constant 0 : index
    %get3A_138 = arith.constant 0 : index
    %get3A_139 = vector.load %arg1[%get3A_135, %get3A_136, %get3A_137, %get3A_138] : memref<1x16x256x128xf32, #tpu.memory_space<vmem>>, vector<1x1x256x128xf32>
    %get3A_140 = vector.shape_cast %get3A_139 : vector<1x1x256x128xf32> to vector<256x128xf32>
    %get3A_141 = arith.constant 0 : index
    %get3A_142 = arith.constant 5 : index
    %get3A_143 = arith.constant 0 : index
    %get3A_144 = arith.constant 0 : index
    %get3A_145 = vector.load %arg2[%get3A_141, %get3A_142, %get3A_143, %get3A_144] : memref<1x16x256x128xf32, #tpu.memory_space<vmem>>, vector<1x1x256x128xf32>
    %get3A_146 = vector.shape_cast %get3A_145 : vector<1x1x256x128xf32> to vector<256x128xf32>
    %concatenate3A_147 = tpu.concatenate %get3A_140, %get3A_146 in 1 : vector<256x128xf32>, vector<256x128xf32> -> vector<256x256xf32>
    %get3A_148 = arith.constant 5 : index
    %get3A_149 = arith.constant 0 : index
    %get3A_150 = arith.constant 0 : index
    %get3A_151 = vector.load %arg4[%get3A_148, %get3A_149, %get3A_150] : memref<16x256x512xf32, #tpu.memory_space<vmem>>, vector<1x256x512xf32>
    %get3A_152 = vector.shape_cast %get3A_151 : vector<1x256x512xf32> to vector<256x512xf32>
    %dot_general3A_153 = arith.constant dense<0.000000e+00> : vector<256x512xf32>
    %dot_general3A_154 = tpu.matmul %concatenate3A_147, %get3A_152, %dot_general3A_153 {dimension_numbers = #tpu.dot_dimension_numbers<[1], [0], [0], [1], [0, 0, 1, 1], [], []>, transpose_lhs_hint = false} : vector<256x256xf32>, vector<256x512xf32>, vector<256x512xf32> -> vector<256x512xf32>
    %add3A_155 = arith.addf %add3A_134, %dot_general3A_154 : vector<256x512xf32>
    %get3A_156 = arith.constant 0 : index
    %get3A_157 = arith.constant 6 : index
    %get3A_158 = arith.constant 0 : index
    %get3A_159 = arith.constant 0 : index
    %get3A_160 = vector.load %arg1[%get3A_156, %get3A_157, %get3A_158, %get3A_159] : memref<1x16x256x128xf32, #tpu.memory_space<vmem>>, vector<1x1x256x128xf32>
    %get3A_161 = vector.shape_cast %get3A_160 : vector<1x1x256x128xf32> to vector<256x128xf32>
    %get3A_162 = arith.constant 0 : index
    %get3A_163 = arith.constant 6 : index
    %get3A_164 = arith.constant 0 : index
    %get3A_165 = arith.constant 0 : index
    %get3A_166 = vector.load %arg2[%get3A_162, %get3A_163, %get3A_164, %get3A_165] : memref<1x16x256x128xf32, #tpu.memory_space<vmem>>, vector<1x1x256x128xf32>
    %get3A_167 = vector.shape_cast %get3A_166 : vector<1x1x256x128xf32> to vector<256x128xf32>
    %concatenate3A_168 = tpu.concatenate %get3A_161, %get3A_167 in 1 : vector<256x128xf32>, vector<256x128xf32> -> vector<256x256xf32>
    %get3A_169 = arith.constant 6 : index
    %get3A_170 = arith.constant 0 : index
    %get3A_171 = arith.constant 0 : index
    %get3A_172 = vector.load %arg4[%get3A_169, %get3A_170, %get3A_171] : memref<16x256x512xf32, #tpu.memory_space<vmem>>, vector<1x256x512xf32>
    %get3A_173 = vector.shape_cast %get3A_172 : vector<1x256x512xf32> to vector<256x512xf32>
    %dot_general3A_174 = arith.constant dense<0.000000e+00> : vector<256x512xf32>
    %dot_general3A_175 = tpu.matmul %concatenate3A_168, %get3A_173, %dot_general3A_174 {dimension_numbers = #tpu.dot_dimension_numbers<[1], [0], [0], [1], [0, 0, 1, 1], [], []>, transpose_lhs_hint = false} : vector<256x256xf32>, vector<256x512xf32>, vector<256x512xf32> -> vector<256x512xf32>
    %add3A_176 = arith.addf %add3A_155, %dot_general3A_175 : vector<256x512xf32>
    %get3A_177 = arith.constant 0 : index
    %get3A_178 = arith.constant 7 : index
    %get3A_179 = arith.constant 0 : index
    %get3A_180 = arith.constant 0 : index
    %get3A_181 = vector.load %arg1[%get3A_177, %get3A_178, %get3A_179, %get3A_180] : memref<1x16x256x128xf32, #tpu.memory_space<vmem>>, vector<1x1x256x128xf32>
    %get3A_182 = vector.shape_cast %get3A_181 : vector<1x1x256x128xf32> to vector<256x128xf32>
    %get3A_183 = arith.constant 0 : index
    %get3A_184 = arith.constant 7 : index
    %get3A_185 = arith.constant 0 : index
    %get3A_186 = arith.constant 0 : index
    %get3A_187 = vector.load %arg2[%get3A_183, %get3A_184, %get3A_185, %get3A_186] : memref<1x16x256x128xf32, #tpu.memory_space<vmem>>, vector<1x1x256x128xf32>
    %get3A_188 = vector.shape_cast %get3A_187 : vector<1x1x256x128xf32> to vector<256x128xf32>
    %concatenate3A_189 = tpu.concatenate %get3A_182, %get3A_188 in 1 : vector<256x128xf32>, vector<256x128xf32> -> vector<256x256xf32>
    %get3A_190 = arith.constant 7 : index
    %get3A_191 = arith.constant 0 : index
    %get3A_192 = arith.constant 0 : index
    %get3A_193 = vector.load %arg4[%get3A_190, %get3A_191, %get3A_192] : memref<16x256x512xf32, #tpu.memory_space<vmem>>, vector<1x256x512xf32>
    %get3A_194 = vector.shape_cast %get3A_193 : vector<1x256x512xf32> to vector<256x512xf32>
    %dot_general3A_195 = arith.constant dense<0.000000e+00> : vector<256x512xf32>
    %dot_general3A_196 = tpu.matmul %concatenate3A_189, %get3A_194, %dot_general3A_195 {dimension_numbers = #tpu.dot_dimension_numbers<[1], [0], [0], [1], [0, 0, 1, 1], [], []>, transpose_lhs_hint = false} : vector<256x256xf32>, vector<256x512xf32>, vector<256x512xf32> -> vector<256x512xf32>
    %add3A_197 = arith.addf %add3A_176, %dot_general3A_196 : vector<256x512xf32>
    %get3A_198 = arith.constant 0 : index
    %get3A_199 = arith.constant 8 : index
    %get3A_200 = arith.constant 0 : index
    %get3A_201 = arith.constant 0 : index
    %get3A_202 = vector.load %arg1[%get3A_198, %get3A_199, %get3A_200, %get3A_201] : memref<1x16x256x128xf32, #tpu.memory_space<vmem>>, vector<1x1x256x128xf32>
    %get3A_203 = vector.shape_cast %get3A_202 : vector<1x1x256x128xf32> to vector<256x128xf32>
    %get3A_204 = arith.constant 0 : index
    %get3A_205 = arith.constant 8 : index
    %get3A_206 = arith.constant 0 : index
    %get3A_207 = arith.constant 0 : index
    %get3A_208 = vector.load %arg2[%get3A_204, %get3A_205, %get3A_206, %get3A_207] : memref<1x16x256x128xf32, #tpu.memory_space<vmem>>, vector<1x1x256x128xf32>
    %get3A_209 = vector.shape_cast %get3A_208 : vector<1x1x256x128xf32> to vector<256x128xf32>
    %concatenate3A_210 = tpu.concatenate %get3A_203, %get3A_209 in 1 : vector<256x128xf32>, vector<256x128xf32> -> vector<256x256xf32>
    %get3A_211 = arith.constant 8 : index
    %get3A_212 = arith.constant 0 : index
    %get3A_213 = arith.constant 0 : index
    %get3A_214 = vector.load %arg4[%get3A_211, %get3A_212, %get3A_213] : memref<16x256x512xf32, #tpu.memory_space<vmem>>, vector<1x256x512xf32>
    %get3A_215 = vector.shape_cast %get3A_214 : vector<1x256x512xf32> to vector<256x512xf32>
    %dot_general3A_216 = arith.constant dense<0.000000e+00> : vector<256x512xf32>
    %dot_general3A_217 = tpu.matmul %concatenate3A_210, %get3A_215, %dot_general3A_216 {dimension_numbers = #tpu.dot_dimension_numbers<[1], [0], [0], [1], [0, 0, 1, 1], [], []>, transpose_lhs_hint = false} : vector<256x256xf32>, vector<256x512xf32>, vector<256x512xf32> -> vector<256x512xf32>
    %add3A_218 = arith.addf %add3A_197, %dot_general3A_217 : vector<256x512xf32>
    %get3A_219 = arith.constant 0 : index
    %get3A_220 = arith.constant 9 : index
    %get3A_221 = arith.constant 0 : index
    %get3A_222 = arith.constant 0 : index
    %get3A_223 = vector.load %arg1[%get3A_219, %get3A_220, %get3A_221, %get3A_222] : memref<1x16x256x128xf32, #tpu.memory_space<vmem>>, vector<1x1x256x128xf32>
    %get3A_224 = vector.shape_cast %get3A_223 : vector<1x1x256x128xf32> to vector<256x128xf32>
    %get3A_225 = arith.constant 0 : index
    %get3A_226 = arith.constant 9 : index
    %get3A_227 = arith.constant 0 : index
    %get3A_228 = arith.constant 0 : index
    %get3A_229 = vector.load %arg2[%get3A_225, %get3A_226, %get3A_227, %get3A_228] : memref<1x16x256x128xf32, #tpu.memory_space<vmem>>, vector<1x1x256x128xf32>
    %get3A_230 = vector.shape_cast %get3A_229 : vector<1x1x256x128xf32> to vector<256x128xf32>
    %concatenate3A_231 = tpu.concatenate %get3A_224, %get3A_230 in 1 : vector<256x128xf32>, vector<256x128xf32> -> vector<256x256xf32>
    %get3A_232 = arith.constant 9 : index
    %get3A_233 = arith.constant 0 : index
    %get3A_234 = arith.constant 0 : index
    %get3A_235 = vector.load %arg4[%get3A_232, %get3A_233, %get3A_234] : memref<16x256x512xf32, #tpu.memory_space<vmem>>, vector<1x256x512xf32>
    %get3A_236 = vector.shape_cast %get3A_235 : vector<1x256x512xf32> to vector<256x512xf32>
    %dot_general3A_237 = arith.constant dense<0.000000e+00> : vector<256x512xf32>
    %dot_general3A_238 = tpu.matmul %concatenate3A_231, %get3A_236, %dot_general3A_237 {dimension_numbers = #tpu.dot_dimension_numbers<[1], [0], [0], [1], [0, 0, 1, 1], [], []>, transpose_lhs_hint = false} : vector<256x256xf32>, vector<256x512xf32>, vector<256x512xf32> -> vector<256x512xf32>
    %add3A_239 = arith.addf %add3A_218, %dot_general3A_238 : vector<256x512xf32>
    %get3A_240 = arith.constant 0 : index
    %get3A_241 = arith.constant 10 : index
    %get3A_242 = arith.constant 0 : index
    %get3A_243 = arith.constant 0 : index
    %get3A_244 = vector.load %arg1[%get3A_240, %get3A_241, %get3A_242, %get3A_243] : memref<1x16x256x128xf32, #tpu.memory_space<vmem>>, vector<1x1x256x128xf32>
    %get3A_245 = vector.shape_cast %get3A_244 : vector<1x1x256x128xf32> to vector<256x128xf32>
    %get3A_246 = arith.constant 0 : index
    %get3A_247 = arith.constant 10 : index
    %get3A_248 = arith.constant 0 : index
    %get3A_249 = arith.constant 0 : index
    %get3A_250 = vector.load %arg2[%get3A_246, %get3A_247, %get3A_248, %get3A_249] : memref<1x16x256x128xf32, #tpu.memory_space<vmem>>, vector<1x1x256x128xf32>
    %get3A_251 = vector.shape_cast %get3A_250 : vector<1x1x256x128xf32> to vector<256x128xf32>
    %concatenate3A_252 = tpu.concatenate %get3A_245, %get3A_251 in 1 : vector<256x128xf32>, vector<256x128xf32> -> vector<256x256xf32>
    %get3A_253 = arith.constant 10 : index
    %get3A_254 = arith.constant 0 : index
    %get3A_255 = arith.constant 0 : index
    %get3A_256 = vector.load %arg4[%get3A_253, %get3A_254, %get3A_255] : memref<16x256x512xf32, #tpu.memory_space<vmem>>, vector<1x256x512xf32>
    %get3A_257 = vector.shape_cast %get3A_256 : vector<1x256x512xf32> to vector<256x512xf32>
    %dot_general3A_258 = arith.constant dense<0.000000e+00> : vector<256x512xf32>
    %dot_general3A_259 = tpu.matmul %concatenate3A_252, %get3A_257, %dot_general3A_258 {dimension_numbers = #tpu.dot_dimension_numbers<[1], [0], [0], [1], [0, 0, 1, 1], [], []>, transpose_lhs_hint = false} : vector<256x256xf32>, vector<256x512xf32>, vector<256x512xf32> -> vector<256x512xf32>
    %add3A_260 = arith.addf %add3A_239, %dot_general3A_259 : vector<256x512xf32>
    %get3A_261 = arith.constant 0 : index
    %get3A_262 = arith.constant 11 : index
    %get3A_263 = arith.constant 0 : index
    %get3A_264 = arith.constant 0 : index
    %get3A_265 = vector.load %arg1[%get3A_261, %get3A_262, %get3A_263, %get3A_264] : memref<1x16x256x128xf32, #tpu.memory_space<vmem>>, vector<1x1x256x128xf32>
    %get3A_266 = vector.shape_cast %get3A_265 : vector<1x1x256x128xf32> to vector<256x128xf32>
    %get3A_267 = arith.constant 0 : index
    %get3A_268 = arith.constant 11 : index
    %get3A_269 = arith.constant 0 : index
    %get3A_270 = arith.constant 0 : index
    %get3A_271 = vector.load %arg2[%get3A_267, %get3A_268, %get3A_269, %get3A_270] : memref<1x16x256x128xf32, #tpu.memory_space<vmem>>, vector<1x1x256x128xf32>
    %get3A_272 = vector.shape_cast %get3A_271 : vector<1x1x256x128xf32> to vector<256x128xf32>
    %concatenate3A_273 = tpu.concatenate %get3A_266, %get3A_272 in 1 : vector<256x128xf32>, vector<256x128xf32> -> vector<256x256xf32>
    %get3A_274 = arith.constant 11 : index
    %get3A_275 = arith.constant 0 : index
    %get3A_276 = arith.constant 0 : index
    %get3A_277 = vector.load %arg4[%get3A_274, %get3A_275, %get3A_276] : memref<16x256x512xf32, #tpu.memory_space<vmem>>, vector<1x256x512xf32>
    %get3A_278 = vector.shape_cast %get3A_277 : vector<1x256x512xf32> to vector<256x512xf32>
    %dot_general3A_279 = arith.constant dense<0.000000e+00> : vector<256x512xf32>
    %dot_general3A_280 = tpu.matmul %concatenate3A_273, %get3A_278, %dot_general3A_279 {dimension_numbers = #tpu.dot_dimension_numbers<[1], [0], [0], [1], [0, 0, 1, 1], [], []>, transpose_lhs_hint = false} : vector<256x256xf32>, vector<256x512xf32>, vector<256x512xf32> -> vector<256x512xf32>
    %add3A_281 = arith.addf %add3A_260, %dot_general3A_280 : vector<256x512xf32>
    %get3A_282 = arith.constant 0 : index
    %get3A_283 = arith.constant 12 : index
    %get3A_284 = arith.constant 0 : index
    %get3A_285 = arith.constant 0 : index
    %get3A_286 = vector.load %arg1[%get3A_282, %get3A_283, %get3A_284, %get3A_285] : memref<1x16x256x128xf32, #tpu.memory_space<vmem>>, vector<1x1x256x128xf32>
    %get3A_287 = vector.shape_cast %get3A_286 : vector<1x1x256x128xf32> to vector<256x128xf32>
    %get3A_288 = arith.constant 0 : index
    %get3A_289 = arith.constant 12 : index
    %get3A_290 = arith.constant 0 : index
    %get3A_291 = arith.constant 0 : index
    %get3A_292 = vector.load %arg2[%get3A_288, %get3A_289, %get3A_290, %get3A_291] : memref<1x16x256x128xf32, #tpu.memory_space<vmem>>, vector<1x1x256x128xf32>
    %get3A_293 = vector.shape_cast %get3A_292 : vector<1x1x256x128xf32> to vector<256x128xf32>
    %concatenate3A_294 = tpu.concatenate %get3A_287, %get3A_293 in 1 : vector<256x128xf32>, vector<256x128xf32> -> vector<256x256xf32>
    %get3A_295 = arith.constant 12 : index
    %get3A_296 = arith.constant 0 : index
    %get3A_297 = arith.constant 0 : index
    %get3A_298 = vector.load %arg4[%get3A_295, %get3A_296, %get3A_297] : memref<16x256x512xf32, #tpu.memory_space<vmem>>, vector<1x256x512xf32>
    %get3A_299 = vector.shape_cast %get3A_298 : vector<1x256x512xf32> to vector<256x512xf32>
    %dot_general3A_300 = arith.constant dense<0.000000e+00> : vector<256x512xf32>
    %dot_general3A_301 = tpu.matmul %concatenate3A_294, %get3A_299, %dot_general3A_300 {dimension_numbers = #tpu.dot_dimension_numbers<[1], [0], [0], [1], [0, 0, 1, 1], [], []>, transpose_lhs_hint = false} : vector<256x256xf32>, vector<256x512xf32>, vector<256x512xf32> -> vector<256x512xf32>
    %add3A_302 = arith.addf %add3A_281, %dot_general3A_301 : vector<256x512xf32>
    %get3A_303 = arith.constant 0 : index
    %get3A_304 = arith.constant 13 : index
    %get3A_305 = arith.constant 0 : index
    %get3A_306 = arith.constant 0 : index
    %get3A_307 = vector.load %arg1[%get3A_303, %get3A_304, %get3A_305, %get3A_306] : memref<1x16x256x128xf32, #tpu.memory_space<vmem>>, vector<1x1x256x128xf32>
    %get3A_308 = vector.shape_cast %get3A_307 : vector<1x1x256x128xf32> to vector<256x128xf32>
    %get3A_309 = arith.constant 0 : index
    %get3A_310 = arith.constant 13 : index
    %get3A_311 = arith.constant 0 : index
    %get3A_312 = arith.constant 0 : index
    %get3A_313 = vector.load %arg2[%get3A_309, %get3A_310, %get3A_311, %get3A_312] : memref<1x16x256x128xf32, #tpu.memory_space<vmem>>, vector<1x1x256x128xf32>
    %get3A_314 = vector.shape_cast %get3A_313 : vector<1x1x256x128xf32> to vector<256x128xf32>
    %concatenate3A_315 = tpu.concatenate %get3A_308, %get3A_314 in 1 : vector<256x128xf32>, vector<256x128xf32> -> vector<256x256xf32>
    %get3A_316 = arith.constant 13 : index
    %get3A_317 = arith.constant 0 : index
    %get3A_318 = arith.constant 0 : index
    %get3A_319 = vector.load %arg4[%get3A_316, %get3A_317, %get3A_318] : memref<16x256x512xf32, #tpu.memory_space<vmem>>, vector<1x256x512xf32>
    %get3A_320 = vector.shape_cast %get3A_319 : vector<1x256x512xf32> to vector<256x512xf32>
    %dot_general3A_321 = arith.constant dense<0.000000e+00> : vector<256x512xf32>
    %dot_general3A_322 = tpu.matmul %concatenate3A_315, %get3A_320, %dot_general3A_321 {dimension_numbers = #tpu.dot_dimension_numbers<[1], [0], [0], [1], [0, 0, 1, 1], [], []>, transpose_lhs_hint = false} : vector<256x256xf32>, vector<256x512xf32>, vector<256x512xf32> -> vector<256x512xf32>
    %add3A_323 = arith.addf %add3A_302, %dot_general3A_322 : vector<256x512xf32>
    %get3A_324 = arith.constant 0 : index
    %get3A_325 = arith.constant 14 : index
    %get3A_326 = arith.constant 0 : index
    %get3A_327 = arith.constant 0 : index
    %get3A_328 = vector.load %arg1[%get3A_324, %get3A_325, %get3A_326, %get3A_327] : memref<1x16x256x128xf32, #tpu.memory_space<vmem>>, vector<1x1x256x128xf32>
    %get3A_329 = vector.shape_cast %get3A_328 : vector<1x1x256x128xf32> to vector<256x128xf32>
    %get3A_330 = arith.constant 0 : index
    %get3A_331 = arith.constant 14 : index
    %get3A_332 = arith.constant 0 : index
    %get3A_333 = arith.constant 0 : index
    %get3A_334 = vector.load %arg2[%get3A_330, %get3A_331, %get3A_332, %get3A_333] : memref<1x16x256x128xf32, #tpu.memory_space<vmem>>, vector<1x1x256x128xf32>
    %get3A_335 = vector.shape_cast %get3A_334 : vector<1x1x256x128xf32> to vector<256x128xf32>
    %concatenate3A_336 = tpu.concatenate %get3A_329, %get3A_335 in 1 : vector<256x128xf32>, vector<256x128xf32> -> vector<256x256xf32>
    %get3A_337 = arith.constant 14 : index
    %get3A_338 = arith.constant 0 : index
    %get3A_339 = arith.constant 0 : index
    %get3A_340 = vector.load %arg4[%get3A_337, %get3A_338, %get3A_339] : memref<16x256x512xf32, #tpu.memory_space<vmem>>, vector<1x256x512xf32>
    %get3A_341 = vector.shape_cast %get3A_340 : vector<1x256x512xf32> to vector<256x512xf32>
    %dot_general3A_342 = arith.constant dense<0.000000e+00> : vector<256x512xf32>
    %dot_general3A_343 = tpu.matmul %concatenate3A_336, %get3A_341, %dot_general3A_342 {dimension_numbers = #tpu.dot_dimension_numbers<[1], [0], [0], [1], [0, 0, 1, 1], [], []>, transpose_lhs_hint = false} : vector<256x256xf32>, vector<256x512xf32>, vector<256x512xf32> -> vector<256x512xf32>
    %add3A_344 = arith.addf %add3A_323, %dot_general3A_343 : vector<256x512xf32>
    %get3A_345 = arith.constant 0 : index
    %get3A_346 = arith.constant 15 : index
    %get3A_347 = arith.constant 0 : index
    %get3A_348 = arith.constant 0 : index
    %get3A_349 = vector.load %arg1[%get3A_345, %get3A_346, %get3A_347, %get3A_348] : memref<1x16x256x128xf32, #tpu.memory_space<vmem>>, vector<1x1x256x128xf32>
    %get3A_350 = vector.shape_cast %get3A_349 : vector<1x1x256x128xf32> to vector<256x128xf32>
    %get3A_351 = arith.constant 0 : index
    %get3A_352 = arith.constant 15 : index
    %get3A_353 = arith.constant 0 : index
    %get3A_354 = arith.constant 0 : index
    %get3A_355 = vector.load %arg2[%get3A_351, %get3A_352, %get3A_353, %get3A_354] : memref<1x16x256x128xf32, #tpu.memory_space<vmem>>, vector<1x1x256x128xf32>
    %get3A_356 = vector.shape_cast %get3A_355 : vector<1x1x256x128xf32> to vector<256x128xf32>
    %concatenate3A_357 = tpu.concatenate %get3A_350, %get3A_356 in 1 : vector<256x128xf32>, vector<256x128xf32> -> vector<256x256xf32>
    %get3A_358 = arith.constant 15 : index
    %get3A_359 = arith.constant 0 : index
    %get3A_360 = arith.constant 0 : index
    %get3A_361 = vector.load %arg4[%get3A_358, %get3A_359, %get3A_360] : memref<16x256x512xf32, #tpu.memory_space<vmem>>, vector<1x256x512xf32>
    %get3A_362 = vector.shape_cast %get3A_361 : vector<1x256x512xf32> to vector<256x512xf32>
    %dot_general3A_363 = arith.constant dense<0.000000e+00> : vector<256x512xf32>
    %dot_general3A_364 = tpu.matmul %concatenate3A_357, %get3A_362, %dot_general3A_363 {dimension_numbers = #tpu.dot_dimension_numbers<[1], [0], [0], [1], [0, 0, 1, 1], [], []>, transpose_lhs_hint = false} : vector<256x256xf32>, vector<256x512xf32>, vector<256x512xf32> -> vector<256x512xf32>
    %add3A_365 = arith.addf %add3A_344, %dot_general3A_364 : vector<256x512xf32>
    %max3A = arith.constant 0.000000e+00 : f32
    %max3A_366 = vector.broadcast %max3A : f32 to vector<256x512xf32>
    %max3A_367 = arith.maximumf %add3A_365, %max3A_366 : vector<256x512xf32>
    %get3A_368 = arith.constant 0 : index
    %get3A_369 = arith.constant 0 : index
    %get3A_370 = vector.load %arg7[%get3A_368, %get3A_369] : memref<512x2xf32, #tpu.memory_space<vmem>>, vector<512x2xf32>
    %dot_general3A_371 = arith.constant dense<0.000000e+00> : vector<256x2xf32>
    %dot_general3A_372 = tpu.matmul %max3A_367, %get3A_370, %dot_general3A_371 {dimension_numbers = #tpu.dot_dimension_numbers<[1], [0], [0], [1], [0, 0, 1, 1], [], []>, transpose_lhs_hint = false} : vector<256x512xf32>, vector<512x2xf32>, vector<256x2xf32> -> vector<256x2xf32>
    %get3A_373 = arith.constant 0 : index
    %get3A_374 = arith.constant 0 : index
    %get3A_375 = vector.load %arg8[%get3A_373, %get3A_374] : memref<1x1xf32, #tpu.memory_space<vmem>>, vector<1x1xf32>
    %get3A_376 = vector.extract %get3A_375[0, 0] : f32 from vector<1x1xf32>
    %add3A_377 = vector.broadcast %get3A_376 : f32 to vector<256x2xf32>
    %add3A_378 = arith.addf %dot_general3A_372, %add3A_377 : vector<256x2xf32>
    %swap3A_379 = arith.constant 0 : index
    %swap3A_380 = arith.constant 0 : index
    %swap3A_381 = arith.constant 0 : index
    %swap3A_382 = vector.load %arg11[%swap3A_379, %swap3A_380, %swap3A_381] : memref<1x256x2xf32, #tpu.memory_space<vmem>>, vector<1x256x2xf32>
    %swap3A_383 = vector.shape_cast %swap3A_382 : vector<1x256x2xf32> to vector<256x2xf32>
    %swap3A_384 = vector.shape_cast %add3A_378 : vector<256x2xf32> to vector<1x256x2xf32>
    tpu.vector_store %arg11[%swap3A_379, %swap3A_380, %swap3A_381], %swap3A_384 {strides = array<i32>} : memref<1x256x2xf32, #tpu.memory_space<vmem>>, vector<1x256x2xf32>,
    return
  }
  func.func @transform_0(%arg0: i32) -> (i32, i32, i32, i32) {
    %c0_i32 = arith.constant 0 : i32
    %c0_i32_0 = arith.constant 0 : i32
    %c0_i32_1 = arith.constant 0 : i32
    %c0_i32_2 = arith.constant 0 : i32
    return %arg0, %c0_i32, %c0_i32_0, %c0_i32_1 : i32, i32, i32, i32
  }
  func.func @transform_1(%arg0: i32) -> (i32, i32, i32, i32) {
    %c0_i32 = arith.constant 0 : i32
    %c0_i32_0 = arith.constant 0 : i32
    %c0_i32_1 = arith.constant 0 : i32
    %c0_i32_2 = arith.constant 0 : i32
    return %arg0, %c0_i32, %c0_i32_0, %c0_i32_1 : i32, i32, i32, i32
  }
  func.func @transform_2(%arg0: i32) -> (i32, i32, i32) {
    %c0_i32 = arith.constant 0 : i32
    %c0_i32_0 = arith.constant 0 : i32
    %c0_i32_1 = arith.constant 0 : i32
    return %arg0, %c0_i32, %c0_i32_0 : i32, i32, i32
  }
  func.func @transform_3(%arg0: i32) -> (i32, i32, i32) {
    %c0_i32 = arith.constant 0 : i32
    %c0_i32_0 = arith.constant 0 : i32
    %c0_i32_1 = arith.constant 0 : i32
    %c0_i32_2 = arith.constant 0 : i32
    return %c0_i32, %c0_i32_0, %c0_i32_1 : i32, i32, i32
  }
  func.func @transform_4(%arg0: i32) -> (i32, i32) {
    %c0_i32 = arith.constant 0 : i32
    %c0_i32_0 = arith.constant 0 : i32
    %c0_i32_1 = arith.constant 0 : i32
    return %c0_i32, %c0_i32_0 : i32, i32
  }
  func.func @transform_5(%arg0: i32) -> (i32, i32) {
    %c0_i32 = arith.constant 0 : i32
    %c0_i32_0 = arith.constant 0 : i32
    %c0_i32_1 = arith.constant 0 : i32
    return %c0_i32, %c0_i32_0 : i32, i32
  }
  func.func @transform_6(%arg0: i32) -> (i32, i32) {
    %c0_i32 = arith.constant 0 : i32
    %c0_i32_0 = arith.constant 0 : i32
    %c0_i32_1 = arith.constant 0 : i32
    return %c0_i32, %c0_i32_0 : i32, i32
  }
  func.func @transform_7(%arg0: i32) -> (i32, i32) {
    %c0_i32 = arith.constant 0 : i32
    %c0_i32_0 = arith.constant 0 : i32
    %c0_i32_1 = arith.constant 0 : i32
    return %c0_i32, %c0_i32_0 : i32, i32
  }
  func.func @transform_8(%arg0: i32) -> (i32, i32, i32, i32) {
    %c0_i32 = arith.constant 0 : i32
    %c0_i32_0 = arith.constant 0 : i32
    %c0_i32_1 = arith.constant 0 : i32
    %c0_i32_2 = arith.constant 0 : i32
    return %arg0, %c0_i32, %c0_i32_0, %c0_i32_1 : i32, i32, i32, i32
  }
  func.func @transform_9(%arg0: i32) -> (i32, i32, i32, i32) {
    %c0_i32 = arith.constant 0 : i32
    %c0_i32_0 = arith.constant 0 : i32
    %c0_i32_1 = arith.constant 0 : i32
    %c0_i32_2 = arith.constant 0 : i32
    return %arg0, %c0_i32, %c0_i32_0, %c0_i32_1 : i32, i32, i32, i32
  }
  func.func @transform_10(%arg0: i32) -> (i32, i32, i32) {
    %c0_i32 = arith.constant 0 : i32
    %c0_i32_0 = arith.constant 0 : i32
    %c0_i32_1 = arith.constant 0 : i32
    return %arg0, %c0_i32, %c0_i32_0 : i32, i32, i32
  }
}

</mosaic_0001>

<sc_bundles>
// kernel: sparse-core-data-format-call.1.cloned.1.call-start
scs
called_computation.1_lowered:
.L_overlay_start_0:
0x0: {  	s2 =	sld [smem:$0x3FD9]  }
0x1: {  	s3 =	sld [smem:$0x3FFE];
	_ =	sdelay $0x1  }
0x2: {  	s1 =	srdreg.scid  }
0x3: {  	s0 =	sand.u32 $0x1, s1  }
0x4: {  	s15 =	sshll.u32 s0, $0xA;
	s2 =	sadd.s32 s3, s2  }
0x5: {  	s2 =	sadd.s32 s2, s15  }
0x6: {  	[smem:$0x3FC1] =	sst s2  }
0x7: {  	_ = 	snop  }
0x8: {  	s2 =	sld [smem:$0x3FD0];
	_ =	sdelay $0x2  }
0x9: {  	s16 =	simm.s32 $0xB;
	s4 =	simm.s32 $0x10  }
0xa: {  	[smem:s4], [sflag:s16] =	dma.local [hbm:s2], $0x1  }
0xb: {  	_ =	swait.eq [sflag:s16], $0x1  }
0xc: {  	[sflag:s16] =	ssyncset.done $0x0  }
0xd: {  	[sflag:s16] =	ssyncadd.s32 $0xFFFFFFFF  }
0xe: {  	s17 =	sld [smem:$0x10];
	(tm) =	ssettm $0x1  }
0xf: {  	s18 =	sld [smem:$0x3FFB];
	_ =	sdelay $0x3  }
0x10: {  	_ =	strace s18  }
0x11: {  	s3 =	sld [smem:$0x3FFC];
	_ =	sdelay $0x3  }
0x12: {  	_ =	strace s3  }
0x13: {  	s3 =	sld [smem:$0x3FFD];
	_ =	sdelay $0x3  }
0x14: {  	_ =	strace s3  }
0x15: {  	_ =	strace $0x8FFFFFFF  }
0x16: {  	s19 =	sld [smem:$0x3FDB];
	_ =	sdelay $0x1  }
0x17: {  	s20 =	simm.s32 $_scs_section_size  }
0x18: {  	s5 =	simm.s32 $_size__tile_overlayer_lowered;
	s6 =	simm.s32 $_tile_overlayer_lowered  }
0x19: {  	s23 =	simm.s32 $0x1BFF;
	s22 =	sshll.u32 s6, $0x1;
	s3 =	sadd.s32 s20, s19  }
0x1a: {  	s7 =	simm.s32 $0x0;
	s21 =	sshll.u32 s5, $0x1;
	s5 =	sadd.s32 s22, s3  }
0x1b: {  	[timem:s7], [sflag:s23] =	dma.local [hbm:s5], s21  }
0x1c: {  	_ =	swait.ge [sflag:s23], s21  }
0x1d: {  	s4 =	ssub.s32 $0x0, s21;
	[sflag:s23] =	ssyncset.done $0x0  }
0x1e: {  	[sflag:s23] =	ssyncadd.s32 s4;
	_ =	sdelay $0x1  }
0x1f: {  	s24 =	simm.s32 $0x1B8B  }
0x20: {  	_ =	swait.ge [sflag:s24], $0x1  }
0x21: {  	[sflag:s24] =	ssyncset.done $0x0  }
0x22: {  	s26 =	simm.s32 $0x1B8E;
	s25 =	sld [smem:$0x3FFE];
	[sflag:s24] =	ssyncadd.s32 $0xFFFFFFFF  }
0x23: {  	s27 =	simm.s32 $execute0_lowered;
	[smem:$0x3FD2] =	sst s26  }
0x24: {  	s5 =	sshll.u32 s27, $0x1;
	_ =	strace $0x80000046;
	[dreg:$0x1] =	wrdreg $0xFFFFFFFF  }
0x25: {  	s28 =	simm.s32 $_size_execute0_lowered;
	s3 =	sadd.s32 s3, s5;
	[dreg:$0x0] =	wrdreg $0x0  }
0x26: {  	s5 =	sshll.u32 s28, $0x1;
	[dreg:$0x2] =	wrdreg s3  }
0x27: {  	[dreg:$0x3] =	wrdreg s5  }
0x28: {  	[dreg:$0x4] =	wrdreg $0xC0  }
0x29: {  	_ =	task [dreg:s7], $0x5FFFF  }
0x2a: {  	[dreg:$0x1] =	wrdreg $0xFFFFFFFF  }
0x2b: {  	[dreg:$0x0] =	wrdreg $0x60  }
0x2c: {  	[dreg:$0x2] =	wrdreg s25  }
0x2d: {  	[dreg:$0x3] =	wrdreg s17  }
0x2e: {  	[dreg:$0x4] =	wrdreg $0xA  }
0x2f: {  	_ =	task.clear_ibuf [dreg:s7], $0x5FFFF;
	_ =	strace $0x90000046  }
0x30: {  	s29 =	simm.s32 $0xA;
	_ =	strace $0x80000048  }
0x31: {  	_ =	swait.ge [sflag:s29], $0x1  }
0x32: {  	[sflag:s29] =	ssyncadd.s32 $0xFFFFFFFF  }
0x33: {  	_ =	strace $0x90000048  }
0x34: {  	_ =	sfence  }
0x35: {  	s30 =	sld [smem:$0x0];
	_ =	sdelay $0x2  }
0x36: {  	s31 =	sshll.u32 s1, $0xD;
	s1 =	sshrl.u32 s1, $0x2  }
0x37: {  	s3 =	sand.u32 $0x4000, s31;
	s1 =	sadd.s32 s1, s30  }
0x38: {  	s0 =	sor.u32 s3, s0;
	s1 =	sshll.u32 s1, $0x11  }
0x39: {  	s0 =	sor.u32 s1, s0  }
0x3a: {  	s0 =	sadd.s32 $0x8F2B, s0  }
0x3b: {  	[sflag:s0] =	ssyncadd.remote.s32 $0x1  }
0x3c: {  	_ =	sfence.sel $0xFFFF  }
0x3d: {  	[dreg:$0x0] =	wrdreg $0xFFFFFFFF;
	(pc) =	sbr.abs _section_cstart, $3  }
0x3e: {  	[dreg:$0x1] =	wrdreg $0xFFFFFFFF  }
0x3f: {  	_ =	task.clear_ibuf [dreg:s7], $0x2FFFF;
	_ =	strace $0x9FFFFFFF  }
0x40: {  	(tm) =	ssettm $0x7FFFFFFF  }
0x41: {  	_ =	shalt  }
tec
execute0_lowered:
.L_overlay_start_1:
0x0: {  	(tag) =	ssettag $0x1  }
0x1: {  	s8 =	rddreg [dreg:$0x0]  }
0x2: {  	s0 =	srdreg.scid;
	s2 =	rddreg [dreg:$0x1]  }
0x3: {  	s1 =	stileid.u32;
	s5 =	simm.s32 $0x1;
	s9 =	simm.s32 $0x2  }
0x4: {  	s14 =	simm.s32 $0x0;
	p0 =	por $0x0, $0x0;
	s15 =	simm.s32 $0x0  }
0x5: {  	s16 =	simm.s32 $0x0;
	s11 =	simm.s32 $0x0;
	s0 =	sshll.u32 s0, $0x1  }
0x6: {  	s13 =	stileid.u32;
	s10 =	simm.s32 $0x0;
	s3 =	sand.u32 $0x2, s0  }
.Ltmp0:
0x7: {  	s4 =	sadd.s32 $0x301A00, s8;
	s6 =	ssub.s32 $0x10, s3;
	(pc) =	sbr.rel .LBB1_1-.Ltmp0, $4  }
0x8: {  	s0 =	rddreg [dreg:$0x2];
	_ =	strace $0x80000047;
	s7 =	sshll.u32 s6, $0x1  }
0x9: {  	s8 =	sadd.s32 $0x303A00, s8;
	[sflag:s5] =	ssyncpa.u1 $0x0;
	s7 =	sand.u32 $0x4, s7  }
0xa: {  	s12 =	smov.u32 s3;
	[sflag:s9] =	ssyncpa.u1 $0x0;
	s7 =	sadd.s32 s6, s7  }
0xb: {  	s9 =	simm.s32 $0x1000;
	s6 =	sand.u32 $0x3C, s7;
	s7 =	sor.u32 $0x2, s7  }
.LBB1_7:
0xc: {  	s17 =	sadd.s32 $0x80, s11  }
0xd: {  	s14 =	sadd.s32 $0x4, s12;
	s18 =	smov.u32 s12;
	p2 =	sgt.s32 s17, $0x1FF  }
0xe: {  	s18 =	smov.u32 @p2 s14  }
0xf: {  	s20 =	smov.u32 s13;
	s14 =	sadd.s32 $0x10, s13;
	p3 =	sgt.s32 s18, $0xF  }
0x10: {  	p1 =	slt.u32 s10, $0x2;
	s20 =	smov.u32 @p3 s14  }
0x11: {  	s10 =	sadd.s32 $0x1, s10;
	s17 =	simm.s32 @p2 $0x0;
	p2 =	sgt.s32 s20, $0xF  }
0x12: {  	s20 =	smov.u32 @p2 s1;
	p2 =	sne.s32 s10, s7  }
.Ltmp1:
0x13: {  	s19 =	simm.s32 @!p1 $0x2;
	(pc) =	sbr.rel @!p2 .LBB1_8-.Ltmp1, $4  }
0x14: {  	s15 =	smov.u32 s12;
	_ =	swait.ge @!p1 [sflag:s19], $0x4000  }
0x15: {  	s16 =	smov.u32 s13;
	p0 =	por !p0, !p0;
	[sflag:s19] =	ssyncset.done @!p1 $0x0  }
0x16: {  	s18 =	smov.u32 @p3 s3;
	s14 =	smov.u32 s11;
	[sflag:s19] =	ssyncadd.s32 @!p1 $0xFFFFC000  }
0x17: {  	s11 =	smov.u32 s17;
	s12 =	smov.u32 s18;
	s13 =	smov.u32 s20  }
.LBB1_1:
0x18: {  	p1 =	sge.u32 s10, s6  }
0x19: {  	s17 =	sxor.u32 @!p1 $0xFFFFFFFF, s10;
	s18 =	sshll.u32 @!p1 s13, $0x11  }
0x1a: {  	s19 =	sshll.u32 @!p1 s12, $0xD;
	s21 =	sshll.u32 @!p1 s11, $0x4;
	s22 =	simm.s32 @!p1 $0x40  }
0x1b: {  	s23 =	simm.s32 @!p1 $0x80;
	s17 =	sshll.u32 @!p1 s17, $0xE;
	s20 =	sadd.s32 @!p1 s18, s19  }
0x1c: {  	s21 =	sand.u32 @!p1 $0x1FF0, s21;
	s18 =	sadd.s32 @!p1 s18, s8;
	s20 =	sadd.s32 @!p1 s4, s20  }
0x1d: {  	s17 =	sand.u32 @!p1 $0x4000, s17;
	s18 =	sadd.s32 @!p1 s19, s18;
	s20 =	sadd.s32 @!p1 s21, s20  }
0x1e: {  	[tilespmem:s17], [sflag:$0x1] =	stream.strided.gather @!p1 [hbm4b:s20+s22], $0x2000, s23, s22, $0x38;
	[tilespmem:$0x10100] =	vst v63  }
0x1f: {  	s31 =	sadd.s32 $0xFFFFFFFF, s10;
	s18 =	sadd.s32 @!p1 s21, s18;
	s17 =	sor.u32 @!p1 $0x2000, s17  }
0x20: {  	[tilespmem:s17], [sflag:$0x1] =	stream.strided.gather @!p1 [hbm4b:s18+s22], $0x2000, s23, s22, $0x38;
	[tilespmem:$0x10100] =	vst v63  }
0x21: {  	p1 =	sge.u32 s31, s6  }
.Ltmp2:
0x22: {  	_ = 	snop;
	(pc) =	sbr.rel @p1 .LBB1_7-.Ltmp2, $1  }
0x23: {  	_ =	sdelay $0x3  }
0x24: {  	s17 =	simm.s32 $0x1;
	s19 =	sand.u32 $0x1, s10  }
0x25: {  	_ =	swait.ge [sflag:s5], $0x4000;
	s17 =	simm.s32 @!p0 $0x0;
	s19 =	smul.u32 $0x10200, s19  }
0x26: {  	p2 =	por $0x1, $0x1;
	[sflag:s5] =	ssyncset.done $0x0;
	s18 =	smul.u32 $0x10200, s17  }
0x27: {  	s20 =	sshll.u32 s17, $0x10;
	[sflag:s5] =	ssyncadd.s32 $0xFFFFC000;
	s30 =	sshrl.u32 s19, $0x2  }
0x28: {  	s31 =	sshrl.u32 s20, $0x2;
	s20 =	simm.s32 $0x0;
	s18 =	sshrl.u32 s18, $0x2  }
0x29: {  	s17 =	sor.u32 $0x8000, s30;
	s19 =	sadd.s32 $0x20, s31;
	s18 =	sor.u32 $0x8000, s18  }
.LBB1_3:
0x2a: {  	s21 =	sshll.u32 s20, $0xD  }
0x2b: {  	s21 =	sand.u32 $0x3FFFE000, s21  }
0x2c: {  	s23 =	sadd.s32 s21, s19  }
0x2d: {  	s31 =	smul.u32 $0x8100, s20;
	v3 =	vld [tilespmem:s23+$0x10]  }
0x2e: {  	v1 =	vld [tilespmem:s23+$0xFFFFFFF0]  }
0x2f: {  	s20 =	sshra.s32 s31, $0x2;
	v0 =	vld [tilespmem:s23+$0x0]  }
0x30: {  	s20 =	sadd.s32 s20, s18;
	v2 =	vld [tilespmem:s23+$0xFFFFFFE0]  }
0x31: {  	s21 =	sadd.s32 $0x0, s20  }
0x32: {  	p1 =	por p2, p2;
	s22 =	simm.s32 $0x4;
	s23 =	sadd.s32 $0x40, s23;
	[tilespmem:s21+$0x1830 ss:$0x81] =	vst.msk $0xffff, v3  }
.LBB1_4:
0x33: {  	v3 =	vld [tilespmem:s23+$0x10];
	p2 =	sne.s32 s22, $0x1FC;
	[tilespmem:s21+$0x810 ss:$0x81] =	vst.msk $0xffff, v1;
	s24 =	smov.u32 s22;
	s22 =	sadd.s32 $0x4, s22  }
.Ltmp3:
0x34: {  	v1 =	vld [tilespmem:s23+$0xFFFFFFF0];
	[tilespmem:s21+$0x1020 ss:$0x81] =	vst.msk $0xffff, v0;
	(pc) =	sbr.rel @p2 .LBB1_4-.Ltmp3, $4  }
0x35: {  	v0 =	vld [tilespmem:s23+$0x0];
	[tilespmem:s21+$0x0 ss:$0x81] =	vst.msk $0xffff, v2  }
0x36: {  	s21 =	sshra.s32 s24, $0x2;
	v2 =	vld [tilespmem:s23+$0xFFFFFFE0]  }
0x37: {  	s21 =	sadd.s32 s21, s20  }
0x38: {  	s23 =	sadd.s32 $0x40, s23;
	[tilespmem:s21+$0x1830 ss:$0x81] =	vst.msk $0xffff, v3  }
.Ltmp4:
0x39: {  	(pc) =	sbr.rel @p1 .LBB1_3-.Ltmp4, $4  }
0x3a: {  	_ = 	snop  }
0x3b: {  	[tilespmem:s21+$0x810 ss:$0x81] =	vst.msk $0xffff, v1  }
0x3c: {  	[tilespmem:s21+$0x1020 ss:$0x81] =	vst.msk $0xffff, v0  }
0x3d: {  	s20 =	simm.s32 $0x1;
	p2 =	por $0x0, $0x0;
	[tilespmem:s21+$0x0 ss:$0x81] =	vst.msk $0xffff, v2  }
0x3e: {  	s16 =	sshll.u32 s16, $0x10;
	s18 =	sand.u32 $0xF80, s14  }
.Ltmp5:
0x3f: {  	s15 =	sshll.u32 s15, $0xC;
	s16 =	sadd.s32 s2, s16;
	(pc) =	sbr.rel .LBB1_7-.Ltmp5, $4  }
0x40: {  	s19 =	sshrl.u32 s14, $0x3;
	s30 =	sand.u32 $0x7, s14;
	s15 =	sadd.s32 s15, s16  }
0x41: {  	s31 =	sand.u32 $0xF, s19;
	s14 =	sshll.u32 s30, $0x12;
	s15 =	sadd.s32 s18, s15  }
0x42: {  	s14 =	sor.u32 $0x400, s14;
	s15 =	sadd.s32 s31, s15  }
0x43: {  	[hbm4b:s15+s14] =	stream.strided.scatter [tilespmem:s17], [sflag:$0x2], $0x4000, s9, s14, $0x20;
	[tilespmem:$0x10100] =	vst v63  }
.LBB1_8:
0x44: {  	_ =	sfence.sel $0x180000  }
0x45: {  	s2 =	simm.s32 $0x1;
	[bflag:$0x0] =	sbarrier.arrive $0xFFFF  }
0x46: {  	s31 =	simm.s32 $0x2;
	[sflag:s2] =	ssyncpa.u1 $0x1  }
0x47: {  	[sflag:s31] =	ssyncpa.u1 $0x1  }
0x48: {  	p0 =	sne.s32 s1, $0x0;
	_ =	strace $0x90000047  }
0x49: {  	s0 =	sadd.s32 @!p0 $0x100000, s0;
	[bflag:$0x2] =	sbarrier.arrive $0xFFFF  }
0x4a: {  	[sflag:s0] =	ssyncadd.tile.s32 @!p0 $0x1;
	_ =	shalt  }
.Lfunc_end1:
_tile_overlayer_lowered:
.L_overlay_start_2:
0x4b: {  	(tag) =	ssettag $0x2  }
0x4c: {  	s0 =	rddreg [dreg:$0x0];
	s2 =	stileid.u32  }
0x4d: {  	s1 =	rddreg [dreg:$0x1];
	p0 =	sne.s32 s2, $0x0  }
0x4e: {  	s3 =	rddreg [dreg:$0x2];
	[bflag:$0x3] =	sbarrier.arrive $0xFFFF;
	s2 =	simm.s32 @!p0 $0x1C01  }
0x4f: {  	[timem:s3], [sflag:s2] =	dma.local @!p0 [hbm:s0], s1  }
0x50: {  	s0 =	simm.s32 @!p0 $0x1  }
0x51: {  	_ =	swait.ge @!p0 [sflag:s0], s1  }
0x52: {  	s1 =	ssub.s32 @!p0 $0x0, s1;
	[sflag:s0] =	ssyncset.done @!p0 $0x0  }
0x53: {  	[sflag:s0] =	ssyncadd.s32 @!p0 s1  }
0x54: {  	[bflag:$0x3] =	sbarrier.arrive $0xFFFF  }
0x55: {  	_ =	shalt  }

// kernel: sparse-core-data-format-call.cloned.1.call-start
scs
called_computation_lowered:
.L_overlay_start_0:
0x0: {  	s2 =	sld [smem:$0x3FD9]  }
0x1: {  	s3 =	sld [smem:$0x3FFE];
	_ =	sdelay $0x1  }
0x2: {  	s1 =	srdreg.scid  }
0x3: {  	s0 =	sand.u32 $0x1, s1  }
0x4: {  	s16 =	sshll.u32 s0, $0xA;
	s2 =	sadd.s32 s3, s2  }
0x5: {  	s2 =	sadd.s32 s2, s16  }
0x6: {  	[smem:$0x3FC1] =	sst s2  }
0x7: {  	_ = 	snop  }
0x8: {  	s2 =	sld [smem:$0x3FD0];
	_ =	sdelay $0x2  }
0x9: {  	s17 =	simm.s32 $0xB;
	s4 =	simm.s32 $0x10  }
0xa: {  	[smem:s4], [sflag:s17] =	dma.local [hbm:s2], $0x1  }
0xb: {  	_ =	swait.eq [sflag:s17], $0x1  }
0xc: {  	[sflag:s17] =	ssyncset.done $0x0  }
0xd: {  	[sflag:s17] =	ssyncadd.s32 $0xFFFFFFFF  }
0xe: {  	s18 =	sld [smem:$0x11];
	(tm) =	ssettm $0x1  }
0xf: {  	s19 =	sld [smem:$0x3FFB];
	_ =	sdelay $0x3  }
0x10: {  	_ =	strace s19  }
0x11: {  	s2 =	sld [smem:$0x3FFC];
	_ =	sdelay $0x3  }
0x12: {  	_ =	strace s2  }
0x13: {  	s2 =	sld [smem:$0x3FFD];
	_ =	sdelay $0x3  }
0x14: {  	_ =	strace s2  }
0x15: {  	_ =	strace $0x8FFFFFFF  }
0x16: {  	s20 =	sld [smem:$0x3FDB];
	_ =	sdelay $0x1  }
0x17: {  	s21 =	simm.s32 $_scs_section_size  }
0x18: {  	s5 =	simm.s32 $_size__tile_overlayer_lowered;
	s6 =	simm.s32 $_tile_overlayer_lowered  }
0x19: {  	s7 =	simm.s32 $0x1BFF;
	s22 =	sshll.u32 s6, $0x1;
	s4 =	sadd.s32 s21, s20  }
0x1a: {  	s23 =	simm.s32 $0x0;
	s5 =	sshll.u32 s5, $0x1;
	s6 =	sadd.s32 s22, s4  }
0x1b: {  	[timem:s23], [sflag:s7] =	dma.local [hbm:s6], s5  }
0x1c: {  	_ =	swait.ge [sflag:s7], s5  }
0x1d: {  	s5 =	ssub.s32 $0x0, s5;
	[sflag:s7] =	ssyncset.done $0x0  }
0x1e: {  	[sflag:s7] =	ssyncadd.s32 s5;
	_ =	sdelay $0x1  }
0x1f: {  	s24 =	simm.s32 $0x1B8B  }
0x20: {  	_ =	swait.ge [sflag:s24], $0x1  }
0x21: {  	[sflag:s24] =	ssyncset.done $0x0  }
0x22: {  	[sflag:s24] =	ssyncadd.s32 $0xFFFFFFFF  }
0x23: {  	s5 =	sld [smem:$0x0]  }
0x24: {  	s6 =	sand.u32 $0xFFFFFFFE, s1  }
0x25: {  	p0 =	sne.s32 s1, s6  }
0x26: {  	s6 =	sshll.u32 @p0 s6, $0xE  }
0x27: {  	s6 =	sadd.s32 @p0 $0x11B8D, s6;
	s7 =	sshll.u32 @p0 s5, $0x11  }
0x28: {  	s6 =	sor.u32 @p0 s7, s6  }
0x29: {  	[sflag:s6] =	ssyncadd.remote.s32 @p0 $0x1;
	_ =	sdelay $0x1  }
0x2a: {  	s6 =	simm.s32 @p0 $0x1B8D  }
0x2b: {  	_ =	swait.eq @p0 [sflag:s6], $0x1  }
0x2c: {  	[sflag:s6] =	ssyncadd.s32 @p0 $0xFFFFFFFF  }
0x2d: {  	s7 =	sshll.u32 @!p0 s1, $0xE  }
0x2e: {  	s7 =	sor.u32 @!p0 $0x4000, s7;
	s6 =	simm.s32 @!p0 $0x1B8D  }
0x2f: {  	s5 =	sshll.u32 @!p0 s5, $0x11;
	s7 =	sadd.s32 @!p0 $0x11B8D, s7;
	_ =	swait.eq @!p0 [sflag:s6], $0x1  }
0x30: {  	s5 =	sor.u32 @!p0 s5, s7;
	[sflag:s6] =	ssyncadd.s32 @!p0 $0xFFFFFFFF  }
0x31: {  	s26 =	simm.s32 $0x1B8E;
	s25 =	sld [smem:$0x3FFE];
	[sflag:s5] =	ssyncadd.remote.s32 @!p0 $0x1  }
0x32: {  	s27 =	simm.s32 $execute0_lowered;
	[smem:$0x3FD2] =	sst s26  }
0x33: {  	s6 =	sshll.u32 s27, $0x1;
	_ =	strace $0x80000049;
	[dreg:$0x1] =	wrdreg $0xFFFFFFFF  }
0x34: {  	s28 =	simm.s32 $_size_execute0_lowered;
	s4 =	sadd.s32 s4, s6;
	[dreg:$0x0] =	wrdreg $0x0  }
0x35: {  	s6 =	sshll.u32 s28, $0x1;
	[dreg:$0x2] =	wrdreg s4  }
0x36: {  	[dreg:$0x3] =	wrdreg s6  }
0x37: {  	[dreg:$0x4] =	wrdreg $0xC0  }
0x38: {  	_ =	task [dreg:s23], $0x5FFFF  }
0x39: {  	[dreg:$0x1] =	wrdreg $0xFFFFFFFF  }
0x3a: {  	[dreg:$0x0] =	wrdreg $0x60  }
0x3b: {  	[dreg:$0x2] =	wrdreg s25  }
0x3c: {  	[dreg:$0x3] =	wrdreg s18  }
0x3d: {  	[dreg:$0x4] =	wrdreg $0x9  }
0x3e: {  	_ =	task.clear_ibuf [dreg:s23], $0x5FFFF;
	_ =	strace $0x90000049  }
0x3f: {  	s29 =	simm.s32 $0x9;
	_ =	strace $0x8000004B  }
0x40: {  	_ =	swait.ge [sflag:s29], $0x1  }
0x41: {  	[sflag:s29] =	ssyncadd.s32 $0xFFFFFFFF  }
0x42: {  	_ =	strace $0x9000004B  }
0x43: {  	_ =	sfence  }
0x44: {  	s30 =	sld [smem:$0x0];
	_ =	sdelay $0x2  }
0x45: {  	s31 =	sshll.u32 s1, $0xD;
	s1 =	sshrl.u32 s1, $0x2  }
0x46: {  	s4 =	sand.u32 $0x4000, s31;
	s1 =	sadd.s32 s1, s30  }
0x47: {  	s0 =	sor.u32 s4, s0;
	s1 =	sshll.u32 s1, $0x11  }
0x48: {  	s0 =	sor.u32 s1, s0  }
0x49: {  	s0 =	sadd.s32 $0x8F2B, s0  }
0x4a: {  	[sflag:s0] =	ssyncadd.remote.s32 $0x1  }
0x4b: {  	_ =	sfence.sel $0xFFFF  }
0x4c: {  	[dreg:$0x0] =	wrdreg $0xFFFFFFFF;
	(pc) =	sbr.abs _section_cstart, $3  }
0x4d: {  	[dreg:$0x1] =	wrdreg $0xFFFFFFFF  }
0x4e: {  	_ =	task.clear_ibuf [dreg:s23], $0x2FFFF;
	_ =	strace $0x9FFFFFFF  }
0x4f: {  	(tm) =	ssettm $0x7FFFFFFF  }
tec
execute0_lowered:
.L_overlay_start_1:
0x0: {  	(tag) =	ssettag $0x1  }
0x1: {  	s8 =	rddreg [dreg:$0x0]  }
0x2: {  	s0 =	srdreg.scid;
	s2 =	rddreg [dreg:$0x1]  }
0x3: {  	s1 =	stileid.u32;
	s5 =	simm.s32 $0x1;
	s9 =	simm.s32 $0x2  }
0x4: {  	s14 =	simm.s32 $0x0;
	p0 =	por $0x0, $0x0;
	s15 =	simm.s32 $0x0  }
0x5: {  	s16 =	simm.s32 $0x0;
	s11 =	simm.s32 $0x0;
	s0 =	sshll.u32 s0, $0x1  }
0x6: {  	s13 =	stileid.u32;
	s10 =	simm.s32 $0x0;
	s3 =	sand.u32 $0x2, s0  }
.Ltmp0:
0x7: {  	s4 =	sadd.s32 $0x501A00, s8;
	s6 =	ssub.s32 $0x10, s3;
	(pc) =	sbr.rel .LBB1_1-.Ltmp0, $4  }
0x8: {  	s0 =	rddreg [dreg:$0x2];
	_ =	strace $0x8000004A;
	s7 =	sshll.u32 s6, $0x1  }
0x9: {  	s8 =	sadd.s32 $0x503A00, s8;
	[sflag:s5] =	ssyncpa.u1 $0x0;
	s7 =	sand.u32 $0x4, s7  }
0xa: {  	s12 =	smov.u32 s3;
	[sflag:s9] =	ssyncpa.u1 $0x0;
	s7 =	sadd.s32 s6, s7  }
0xb: {  	s9 =	simm.s32 $0x1000;
	s6 =	sand.u32 $0x3C, s7;
	s7 =	sor.u32 $0x2, s7  }
.LBB1_7:
0xc: {  	s17 =	sadd.s32 $0x80, s11  }
0xd: {  	s14 =	sadd.s32 $0x4, s12;
	s18 =	smov.u32 s12;
	p2 =	sgt.s32 s17, $0x1FF  }
0xe: {  	s18 =	smov.u32 @p2 s14  }
0xf: {  	s20 =	smov.u32 s13;
	s14 =	sadd.s32 $0x10, s13;
	p3 =	sgt.s32 s18, $0xF  }
0x10: {  	p1 =	slt.u32 s10, $0x2;
	s20 =	smov.u32 @p3 s14  }
0x11: {  	s10 =	sadd.s32 $0x1, s10;
	s17 =	simm.s32 @p2 $0x0;
	p2 =	sgt.s32 s20, $0xF  }
0x12: {  	s20 =	smov.u32 @p2 s1;
	p2 =	sne.s32 s10, s7  }
.Ltmp1:
0x13: {  	s19 =	simm.s32 @!p1 $0x2;
	(pc) =	sbr.rel @!p2 .LBB1_8-.Ltmp1, $4  }
0x14: {  	s15 =	smov.u32 s12;
	_ =	swait.ge @!p1 [sflag:s19], $0x4000  }
0x15: {  	s16 =	smov.u32 s13;
	p0 =	por !p0, !p0;
	[sflag:s19] =	ssyncset.done @!p1 $0x0  }
0x16: {  	s18 =	smov.u32 @p3 s3;
	s14 =	smov.u32 s11;
	[sflag:s19] =	ssyncadd.s32 @!p1 $0xFFFFC000  }
0x17: {  	s11 =	smov.u32 s17;
	s12 =	smov.u32 s18;
	s13 =	smov.u32 s20  }
.LBB1_1:
0x18: {  	p1 =	sge.u32 s10, s6  }
0x19: {  	s17 =	sxor.u32 @!p1 $0xFFFFFFFF, s10;
	s18 =	sshll.u32 @!p1 s13, $0x11  }
0x1a: {  	s19 =	sshll.u32 @!p1 s12, $0xD;
	s21 =	sshll.u32 @!p1 s11, $0x4;
	s22 =	simm.s32 @!p1 $0x40  }
0x1b: {  	s23 =	simm.s32 @!p1 $0x80;
	s17 =	sshll.u32 @!p1 s17, $0xE;
	s20 =	sadd.s32 @!p1 s18, s19  }
0x1c: {  	s21 =	sand.u32 @!p1 $0x1FF0, s21;
	s18 =	sadd.s32 @!p1 s18, s8;
	s20 =	sadd.s32 @!p1 s4, s20  }
0x1d: {  	s17 =	sand.u32 @!p1 $0x4000, s17;
	s18 =	sadd.s32 @!p1 s19, s18;
	s20 =	sadd.s32 @!p1 s21, s20  }
0x1e: {  	[tilespmem:s17], [sflag:$0x1] =	stream.strided.gather @!p1 [hbm4b:s20+s22], $0x2000, s23, s22, $0x38;
	[tilespmem:$0x10100] =	vst v63  }
0x1f: {  	s31 =	sadd.s32 $0xFFFFFFFF, s10;
	s18 =	sadd.s32 @!p1 s21, s18;
	s17 =	sor.u32 @!p1 $0x2000, s17  }
0x20: {  	[tilespmem:s17], [sflag:$0x1] =	stream.strided.gather @!p1 [hbm4b:s18+s22], $0x2000, s23, s22, $0x38;
	[tilespmem:$0x10100] =	vst v63  }
0x21: {  	p1 =	sge.u32 s31, s6  }
.Ltmp2:
0x22: {  	_ = 	snop;
	(pc) =	sbr.rel @p1 .LBB1_7-.Ltmp2, $1  }
0x23: {  	_ =	sdelay $0x3  }
0x24: {  	s17 =	simm.s32 $0x1;
	s19 =	sand.u32 $0x1, s10  }
0x25: {  	_ =	swait.ge [sflag:s5], $0x4000;
	s17 =	simm.s32 @!p0 $0x0;
	s19 =	smul.u32 $0x10200, s19  }
0x26: {  	p2 =	por $0x1, $0x1;
	[sflag:s5] =	ssyncset.done $0x0;
	s18 =	smul.u32 $0x10200, s17  }
0x27: {  	s20 =	sshll.u32 s17, $0x10;
	[sflag:s5] =	ssyncadd.s32 $0xFFFFC000;
	s30 =	sshrl.u32 s19, $0x2  }
0x28: {  	s31 =	sshrl.u32 s20, $0x2;
	s20 =	simm.s32 $0x0;
	s18 =	sshrl.u32 s18, $0x2  }
0x29: {  	s17 =	sor.u32 $0x8000, s30;
	s19 =	sadd.s32 $0x20, s31;
	s18 =	sor.u32 $0x8000, s18  }
.LBB1_3:
0x2a: {  	s21 =	sshll.u32 s20, $0xD  }
0x2b: {  	s21 =	sand.u32 $0x3FFFE000, s21  }
0x2c: {  	s23 =	sadd.s32 s21, s19  }
0x2d: {  	s31 =	smul.u32 $0x8100, s20;
	v3 =	vld [tilespmem:s23+$0x10]  }
0x2e: {  	v1 =	vld [tilespmem:s23+$0xFFFFFFF0]  }
0x2f: {  	s20 =	sshra.s32 s31, $0x2;
	v0 =	vld [tilespmem:s23+$0x0]  }
0x30: {  	s20 =	sadd.s32 s20, s18;
	v2 =	vld [tilespmem:s23+$0xFFFFFFE0]  }
0x31: {  	s21 =	sadd.s32 $0x0, s20  }
0x32: {  	p1 =	por p2, p2;
	s22 =	simm.s32 $0x4;
	s23 =	sadd.s32 $0x40, s23;
	[tilespmem:s21+$0x1830 ss:$0x81] =	vst.msk $0xffff, v3  }
.LBB1_4:
0x33: {  	v3 =	vld [tilespmem:s23+$0x10];
	p2 =	sne.s32 s22, $0x1FC;
	[tilespmem:s21+$0x810 ss:$0x81] =	vst.msk $0xffff, v1;
	s24 =	smov.u32 s22;
	s22 =	sadd.s32 $0x4, s22  }
.Ltmp3:
0x34: {  	v1 =	vld [tilespmem:s23+$0xFFFFFFF0];
	[tilespmem:s21+$0x1020 ss:$0x81] =	vst.msk $0xffff, v0;
	(pc) =	sbr.rel @p2 .LBB1_4-.Ltmp3, $4  }
0x35: {  	v0 =	vld [tilespmem:s23+$0x0];
	[tilespmem:s21+$0x0 ss:$0x81] =	vst.msk $0xffff, v2  }
0x36: {  	s21 =	sshra.s32 s24, $0x2;
	v2 =	vld [tilespmem:s23+$0xFFFFFFE0]  }
0x37: {  	s21 =	sadd.s32 s21, s20  }
0x38: {  	s23 =	sadd.s32 $0x40, s23;
	[tilespmem:s21+$0x1830 ss:$0x81] =	vst.msk $0xffff, v3  }
.Ltmp4:
0x39: {  	(pc) =	sbr.rel @p1 .LBB1_3-.Ltmp4, $4  }
0x3a: {  	_ = 	snop  }
0x3b: {  	[tilespmem:s21+$0x810 ss:$0x81] =	vst.msk $0xffff, v1  }
0x3c: {  	[tilespmem:s21+$0x1020 ss:$0x81] =	vst.msk $0xffff, v0  }
0x3d: {  	s20 =	simm.s32 $0x1;
	p2 =	por $0x0, $0x0;
	[tilespmem:s21+$0x0 ss:$0x81] =	vst.msk $0xffff, v2  }
0x3e: {  	s16 =	sshll.u32 s16, $0x10;
	s18 =	sand.u32 $0xF80, s14  }
.Ltmp5:
0x3f: {  	s15 =	sshll.u32 s15, $0xC;
	s16 =	sadd.s32 s2, s16;
	(pc) =	sbr.rel .LBB1_7-.Ltmp5, $4  }
0x40: {  	s19 =	sshrl.u32 s14, $0x3;
	s30 =	sand.u32 $0x7, s14;
	s15 =	sadd.s32 s15, s16  }
0x41: {  	s31 =	sand.u32 $0xF, s19;
	s14 =	sshll.u32 s30, $0x12;
	s15 =	sadd.s32 s18, s15  }
0x42: {  	s14 =	sor.u32 $0x400, s14;
	s15 =	sadd.s32 s31, s15  }
0x43: {  	[hbm4b:s15+s14] =	stream.strided.scatter [tilespmem:s17], [sflag:$0x2], $0x4000, s9, s14, $0x20;
	[tilespmem:$0x10100] =	vst v63  }
.LBB1_8:
0x44: {  	_ =	sfence.sel $0x180000  }
0x45: {  	s2 =	simm.s32 $0x1;
	[bflag:$0x0] =	sbarrier.arrive $0xFFFF  }
0x46: {  	s31 =	simm.s32 $0x2;
	[sflag:s2] =	ssyncpa.u1 $0x1  }
0x47: {  	[sflag:s31] =	ssyncpa.u1 $0x1  }
0x48: {  	p0 =	sne.s32 s1, $0x0;
	_ =	strace $0x9000004A  }
0x49: {  	s0 =	sadd.s32 @!p0 $0x100000, s0;
	[bflag:$0x2] =	sbarrier.arrive $0xFFFF  }
0x4a: {  	[sflag:s0] =	ssyncadd.tile.s32 @!p0 $0x1;
	_ =	shalt  }
.Lfunc_end1:
_tile_overlayer_lowered:
.L_overlay_start_2:
0x4b: {  	(tag) =	ssettag $0x2  }
0x4c: {  	s0 =	rddreg [dreg:$0x0];
	s2 =	stileid.u32  }
0x4d: {  	s1 =	rddreg [dreg:$0x1];
	p0 =	sne.s32 s2, $0x0  }
0x4e: {  	s3 =	rddreg [dreg:$0x2];
	[bflag:$0x3] =	sbarrier.arrive $0xFFFF;
	s2 =	simm.s32 @!p0 $0x1C01  }
0x4f: {  	[timem:s3], [sflag:s2] =	dma.local @!p0 [hbm:s0], s1  }
0x50: {  	s0 =	simm.s32 @!p0 $0x1  }
0x51: {  	_ =	swait.ge @!p0 [sflag:s0], s1  }
0x52: {  	s1 =	ssub.s32 @!p0 $0x0, s1;
	[sflag:s0] =	ssyncset.done @!p0 $0x0  }
0x53: {  	[sflag:s0] =	ssyncadd.s32 @!p0 s1  }
0x54: {  	[bflag:$0x3] =	sbarrier.arrive $0xFFFF  }
0x55: {  	_ =	shalt  }

</sc_bundles>
